<compile_context>
chip_gen: v7x
topology: tpu7x:2x2x1
jax: 0.10.2.dev20260603
libtpu: 0.0.44.dev20260713+nightly
codegen_flags: <defaults>
</compile_context>

<pallas_src>
import functools

import jax
import jax.numpy as jnp
from jax import lax
from jax.experimental import pallas as pl
from jax.experimental.pallas import tpu as pltpu
from jax.experimental.pallas import tpu_sc as plsc

N_E = 8192
D = 256
N_TOK = 8192
BETA = 0.25
EPS = 1e-10

ROW_BLK = 1024
ROW_GRID = N_TOK // ROW_BLK
_WINDOWS = ((0, 2048), (2048, 2048), (4096, 2048), (6144, 2048))


def _dist_argmin_body(x_ref, e_ref, rowsq_ref, esq_ref, idx_ref, dsel_ref):
    sim2T = lax.dot_general(
        e_ref[...], x_ref[...] + x_ref[...],
        dimension_numbers=(((1,), (1,)), ((), ())),
        preferred_element_type=jnp.float32,
    )
    dT = (rowsq_ref[...][None, :] + esq_ref[...][:, None]) - sim2T
    rowiota = lax.broadcasted_iota(jnp.int32, (N_E, ROW_BLK), 0)
    big = jnp.int32(2**30)
    accv = jnp.full((ROW_BLK,), jnp.inf, jnp.float32)
    accd = jnp.zeros((ROW_BLK,), jnp.float32)
    acci = jnp.zeros((ROW_BLK,), jnp.int32)
    for start, width in _WINDOWS:
        sl = dT[start:start + width, :]
        wv = jnp.min(sl, axis=0)
        wi = jnp.min(jnp.where(sl == wv[None, :],
                               rowiota[start:start + width, :], big), axis=0)
        take = wv < accv
        accv = jnp.where(take, wv.astype(jnp.bfloat16).astype(jnp.float32), accv)
        accd = jnp.where(take, wv, accd)
        acci = jnp.where(take, wi, acci)
    idx_ref[...] = acci
    dsel_ref[...] = accd


_dist_argmin = pl.pallas_call(
    _dist_argmin_body,
    grid=(ROW_GRID,),
    in_specs=[
        pl.BlockSpec((ROW_BLK, D), lambda i: (i, 0)),
        pl.BlockSpec((N_E, D), lambda i: (0, 0)),
        pl.BlockSpec((ROW_BLK,), lambda i: (i,)),
        pl.BlockSpec((N_E,), lambda i: (0,)),
    ],
    out_specs=[
        pl.BlockSpec((ROW_BLK,), lambda i: (i,)),
        pl.BlockSpec((ROW_BLK,), lambda i: (i,)),
    ],
    out_shape=[
        jax.ShapeDtypeStruct((N_TOK,), jnp.int32),
        jax.ShapeDtypeStruct((N_TOK,), jnp.float32),
    ],
    compiler_params=pltpu.CompilerParams(vmem_limit_bytes=120 * 1024 * 1024),
)


NW = 32
BPW = N_TOK // NW
_LANES = 16


@functools.lru_cache(maxsize=1)
def _make_sc_gather_count():
    info = plsc.get_sparse_core_info()
    nc, ns = info.num_cores, info.num_subcores
    assert nc * ns == NW

    @functools.partial(
        pl.kernel,
        mesh=plsc.VectorSubcoreMesh(core_axis_name="c", subcore_axis_name="s"),
        out_type=[
            jax.ShapeDtypeStruct((N_TOK, D), jnp.float32),
            jax.ShapeDtypeStruct((NW, N_E), jnp.int32),
        ],
        scratch_types=[
            pltpu.VMEM((BPW,), jnp.int32),
            pltpu.VMEM((BPW, D), jnp.float32),
            pltpu.VMEM((N_E,), jnp.int32),
            pltpu.SemaphoreType.DMA,
        ],
        compiler_params=pltpu.CompilerParams(needs_layout_passes=False),
    )
    def _sc_gather_count(emb_hbm, idx_hbm, q_hbm, pcnt_hbm,
                         idx_v, rows_v, cnt_v, sem):
        wid = lax.axis_index("s") * nc + lax.axis_index("c")
        base = wid * BPW
        pltpu.sync_copy(idx_hbm.at[pl.ds(base, BPW)], idx_v)
        gather = pltpu.async_copy(emb_hbm.at[idx_v], rows_v, sem)

        zeros = jnp.zeros((_LANES,), jnp.int32)

        def _zero(i, carry):
            cnt_v[pl.ds(i * _LANES, _LANES)] = zeros
            return carry

        lax.fori_loop(0, N_E // _LANES, _zero, 0)

        ones = jnp.ones((_LANES,), jnp.int32)

        def _count(i, carry):
            vidx = idx_v[pl.ds(i * _LANES, _LANES)]
            plsc.addupdate_scatter(cnt_v, [vidx], ones)
            return carry

        lax.fori_loop(0, BPW // _LANES, _count, 0)

        gather.wait()
        pltpu.sync_copy(rows_v, q_hbm.at[pl.ds(base, BPW)])
        pltpu.sync_copy(cnt_v, pcnt_hbm.at[wid])

    return _sc_gather_count


def _stats_body(pcnt_ref, dmin_ref, cnt_ref, perp_ref, loss_ref):
    counts = jnp.sum(pcnt_ref[...], axis=0)
    cnt_ref[...] = counts
    p = counts.astype(jnp.float32) * (1.0 / N_TOK)
    ent = jnp.sum(p * jnp.log(p + EPS))
    perp_ref[0, 0] = jnp.exp(-ent)
    m = jnp.sum(dmin_ref[...]) * (1.0 / (N_TOK * D))
    loss_ref[0, 0] = BETA * m + m


_stats = pl.pallas_call(
    _stats_body,
    out_specs=[
        pl.BlockSpec(memory_space=pltpu.VMEM),
        pl.BlockSpec(memory_space=pltpu.SMEM),
        pl.BlockSpec(memory_space=pltpu.SMEM),
    ],
    out_shape=[
        jax.ShapeDtypeStruct((N_E,), jnp.int32),
        jax.ShapeDtypeStruct((1, 1), jnp.float32),
        jax.ShapeDtypeStruct((1, 1), jnp.float32),
    ],
)


def kernel(x, embeddings):
    flat = x.reshape(-1, D)
    rowsq = jnp.sum(flat ** 2, axis=1)
    esq = jnp.sum(embeddings ** 2, axis=1)
    idx, dmin = _dist_argmin(flat, embeddings, rowsq, esq)
    q, pcnt = _make_sc_gather_count()(embeddings, idx)
    counts, perp, loss = _stats(pcnt, dmin)
    quantized_ste = q.reshape(x.shape)
    return quantized_ste, perp[0, 0], loss[0, 0], counts

# --- scband reference (transcript-rebuilt; emitter-appended) ---
"""Pipeline reference for scband-vector-quantizer-15771119911137 (READ-ONLY COPY).

The authoritative reference and input builder live on the scoring server;
editing this copy changes nothing except your own understanding.
"""

import jax, jax.numpy as jnp
import numpy as np

NUM_EMBEDDINGS = 8192
EMBEDDING_DIM = 256
BETA = 0.25
EPS = 1e-10


def setup_inputs(seed: int = 0) -> dict:
    key = jax.random.key(seed)
    k1, k2 = jax.random.split(key)
    x = jax.random.normal(k1, (8, 1024, EMBEDDING_DIM), dtype=jnp.float32)
    # learned codebook, mimics tf.random_uniform_initializer() default range [-0.05, 0.05)
    embeddings = jax.random.uniform(k2, (NUM_EMBEDDINGS, EMBEDDING_DIM), dtype=jnp.float32, minval=-0.05, maxval=0.05)
    return {"x": x, "embeddings": embeddings}


def reference(x, embeddings):
    input_shape = x.shape
    flattened = x.reshape(-1, EMBEDDING_DIM)
    # get_code_indices: squared L2 distances via expanded matmul
    similarity = flattened @ embeddings.T
    distances = (
        jnp.sum(flattened ** 2, axis=1, keepdims=True)
        + jnp.sum(embeddings ** 2, axis=1)[None, :]
        - 2.0 * similarity
    )
    encoding_indices = jnp.argmin(distances, axis=1)
    encodings = jax.nn.one_hot(encoding_indices, NUM_EMBEDDINGS, dtype=jnp.float32)
    quantized = encodings @ embeddings
    quantized = quantized.reshape(input_shape)
    # losses (computed as in original; added via add_loss there)
    commitment_loss = jnp.mean((jax.lax.stop_gradient(quantized) - x) ** 2)
    codebook_loss = jnp.mean((jax.lax.stop_gradient(x) - quantized) ** 2)
    loss = BETA * commitment_loss + codebook_loss
    # straight-through estimator
    quantized_ste = x + jax.lax.stop_gradient(quantized - x)
    # perplexity
    avg_probs = jnp.mean(encodings, axis=0)
    perplexity = jnp.exp(-jnp.sum(avg_probs * jnp.log(avg_probs + EPS)))
    # codebook usage counter (side-effect stat in original; returned here for fidelity)
    codebooks_used = jnp.bincount(encoding_indices.astype(jnp.int32), length=NUM_EMBEDDINGS).astype(jnp.int32)
    return quantized_ste, perplexity, loss, codebooks_used

if __name__ == "__main__":
    import jax
    _d = setup_inputs()
    print(jax.jit(kernel)(*tuple(_d.values())))

</pallas_src>

<mosaic_0001>
#map = affine_map<(d0, d1) -> (0, 0)>
#map1 = affine_map<(d0, d1) -> (0)>
module attributes {stable_mosaic.version = 14 : i64} {
  func.func @_sc_gather_count(%arg0: i32, %arg1: i32, %arg2: memref<8192x256xf32, #tpu.memory_space<hbm>>, %arg3: memref<8192xi32, #tpu.memory_space<hbm>>, %arg4: memref<8192x256xf32, #tpu.memory_space<hbm>>, %arg5: memref<32x8192xi32, #tpu.memory_space<hbm>>, %arg6: memref<256xi32, #tpu.memory_space<vmem>>, %arg7: memref<256x256xf32, #tpu.memory_space<vmem>>, %arg8: memref<8192xi32, #tpu.memory_space<vmem>>, %arg9: memref<!tpu.dma_semaphore, #tpu.memory_space<semaphore_mem>>) attributes {dimension_semantics = [#tpu.dimension_semantics<core_parallel>, #tpu.dimension_semantics<subcore_parallel>], iteration_bounds = array<i64: 2, 16>, scalar_prefetch = 0 : i64, scratch_operands = 4 : i64, tpu.core_type = #tpu.core_type<sc_vector_subcore>, window_params = [{transform_indices = #map}, {transform_indices = #map1}, {transform_indices = #map}, {transform_indices = #map}]} {
    %mul3A = arith.constant 2 : i32
    %mul3A_0 = arith.muli %arg1, %mul3A : i32
    %add3A = arith.addi %mul3A_0, %arg0 : i32
    %mul3A_1 = arith.constant 256 : i32
    %mul3A_2 = arith.muli %add3A, %mul3A_1 : i32
    "tpu.region"() ({
      %run_scoped3A = tpu.sem_alloc : memref<!tpu.dma_semaphore, #tpu.memory_space<semaphore_mem>>
      %dma_start3A_21 = tpu.memref_slice %arg3[%mul3A_2] : memref<8192xi32, #tpu.memory_space<hbm>> -> memref<256xi32, #tpu.memory_space<hbm>>
      %dma_start3A_22 = tpu.memref_slice %arg3[%mul3A_2] : memref<8192xi32, #tpu.memory_space<hbm>> -> memref<256xi32, #tpu.memory_space<hbm>>
      tpu.enqueue_dma source(%dma_start3A_22 : memref<256xi32, #tpu.memory_space<hbm>>) target(%arg6 : memref<256xi32, #tpu.memory_space<vmem>>) target_semaphore(%run_scoped3A : memref<!tpu.dma_semaphore, #tpu.memory_space<semaphore_mem>>)
      %dma_wait3A_23 = tpu.memref_slice %arg3[%mul3A_2] : memref<8192xi32, #tpu.memory_space<hbm>> -> memref<256xi32, #tpu.memory_space<hbm>>
      %dma_wait3A_24 = tpu.memref_slice %arg3[%mul3A_2] : memref<8192xi32, #tpu.memory_space<hbm>> -> memref<256xi32, #tpu.memory_space<hbm>>
      tpu.wait_dma2 semaphore(%run_scoped3A : memref<!tpu.dma_semaphore, #tpu.memory_space<semaphore_mem>>) src(%dma_wait3A_24 : memref<256xi32, #tpu.memory_space<hbm>>) dst(%arg6 : memref<256xi32, #tpu.memory_space<vmem>>)
      tpu.yield
    }) : () -> ()
    %dma_start3A = arith.constant 0 : i32
    %dma_start3A_3 = arith.constant 0 : i32
    %dma_start3A_4 = tpu.memref_slice %arg2[%dma_start3A, %dma_start3A_3] : memref<8192x256xf32, #tpu.memory_space<hbm>> -> memref<8192x256xf32, #tpu.memory_space<hbm>>
    tpu.enqueue_indirect_dma source(%dma_start3A_4 : memref<8192x256xf32, #tpu.memory_space<hbm>>) target(%arg7 : memref<256x256xf32, #tpu.memory_space<vmem>>) offsets(%arg6 : memref<256xi32, #tpu.memory_space<vmem>>) semaphore(%arg9 : memref<!tpu.dma_semaphore, #tpu.memory_space<semaphore_mem>>)
    %broadcast_in_dim3A = arith.constant 0 : i32
    %broadcast_in_dim3A_5 = vector.broadcast %broadcast_in_dim3A : i32 to vector<16xi32>
    %scan3A = arith.constant 0 : i32
    %scan3A_6 = arith.constant 0 : i32
    %scan3A_7 = arith.constant 512 : i32
    %scan3A_8 = arith.addi %scan3A_6, %scan3A_7 : i32
    %scan3A_9 = arith.constant 1 : i32
    scf.for %scan3A_21 = %scan3A_6 to %scan3A_8 step %scan3A_9  : i32 {
      %mul3A_22 = arith.constant 16 : i32
      %mul3A_23 = arith.muli %scan3A_21, %mul3A_22 : i32
      %swap3A = arith.index_cast %mul3A_23 : i32 to index
      %swap3A_24 = tpu.vector_load %arg8[%swap3A] {strides = array<i32>} : memref<8192xi32, #tpu.memory_space<vmem>>, vector<16xi32>,
      tpu.vector_store %arg8[%swap3A], %broadcast_in_dim3A_5 {strides = array<i32>} : memref<8192xi32, #tpu.memory_space<vmem>>, vector<16xi32>,
    }
    %scan3A_10 = arith.constant 512 : i32
    %broadcast_in_dim3A_11 = arith.constant 1 : i32
    %broadcast_in_dim3A_12 = vector.broadcast %broadcast_in_dim3A_11 : i32 to vector<16xi32>
    %scan3A_13 = arith.constant 0 : i32
    %scan3A_14 = arith.constant 0 : i32
    %scan3A_15 = arith.constant 16 : i32
    %scan3A_16 = arith.addi %scan3A_14, %scan3A_15 : i32
    %scan3A_17 = arith.constant 1 : i32
    scf.for %scan3A_21 = %scan3A_14 to %scan3A_16 step %scan3A_17  : i32 {
      %mul3A_22 = arith.constant 16 : i32
      %mul3A_23 = arith.muli %scan3A_21, %mul3A_22 : i32
      %get3A = arith.index_cast %mul3A_23 : i32 to index
      %get3A_24 = tpu.vector_load %arg6[%get3A] {strides = array<i32>} : memref<256xi32, #tpu.memory_space<vmem>>, vector<16xi32>,
      tpu.vector_store_idx %arg8[%get3A_24], %broadcast_in_dim3A_12 {add = true} : memref<8192xi32, #tpu.memory_space<vmem>>[vector<16xi32>], vector<16xi32>,
    }
    %scan3A_18 = arith.constant 16 : i32
    %dma_wait3A = arith.constant 0 : i32
    %dma_wait3A_19 = arith.constant 0 : i32
    %dma_wait3A_20 = tpu.memref_slice %arg2[%dma_wait3A, %dma_wait3A_19] : memref<8192x256xf32, #tpu.memory_space<hbm>> -> memref<8192x256xf32, #tpu.memory_space<hbm>>
    tpu.wait_indirect_dma semaphore(%arg9 : memref<!tpu.dma_semaphore, #tpu.memory_space<semaphore_mem>>) src(%dma_wait3A_20 : memref<8192x256xf32, #tpu.memory_space<hbm>>) dst(%arg7 : memref<256x256xf32, #tpu.memory_space<vmem>>)
    "tpu.region"() ({
      %run_scoped3A = tpu.sem_alloc : memref<!tpu.dma_semaphore, #tpu.memory_space<semaphore_mem>>
      %dma_start3A_21 = arith.constant 0 : i32
      %dma_start3A_22 = tpu.memref_slice %arg4[%mul3A_2, %dma_start3A_21] : memref<8192x256xf32, #tpu.memory_space<hbm>> -> memref<256x256xf32, #tpu.memory_space<hbm>>
      %dma_start3A_23 = arith.constant 0 : i32
      %dma_start3A_24 = tpu.memref_slice %arg4[%mul3A_2, %dma_start3A_23] : memref<8192x256xf32, #tpu.memory_space<hbm>> -> memref<256x256xf32, #tpu.memory_space<hbm>>
      tpu.enqueue_dma source(%arg7 : memref<256x256xf32, #tpu.memory_space<vmem>>) target(%dma_start3A_24 : memref<256x256xf32, #tpu.memory_space<hbm>>) target_semaphore(%run_scoped3A : memref<!tpu.dma_semaphore, #tpu.memory_space<semaphore_mem>>)
      %dma_wait3A_25 = arith.constant 0 : i32
      %dma_wait3A_26 = tpu.memref_slice %arg4[%mul3A_2, %dma_wait3A_25] : memref<8192x256xf32, #tpu.memory_space<hbm>> -> memref<256x256xf32, #tpu.memory_space<hbm>>
      %dma_wait3A_27 = arith.constant 0 : i32
      %dma_wait3A_28 = tpu.memref_slice %arg4[%mul3A_2, %dma_wait3A_27] : memref<8192x256xf32, #tpu.memory_space<hbm>> -> memref<256x256xf32, #tpu.memory_space<hbm>>
      tpu.wait_dma2 semaphore(%run_scoped3A : memref<!tpu.dma_semaphore, #tpu.memory_space<semaphore_mem>>) src(%arg7 : memref<256x256xf32, #tpu.memory_space<vmem>>) dst(%dma_wait3A_28 : memref<256x256xf32, #tpu.memory_space<hbm>>)
      tpu.yield
    }) : () -> ()
    "tpu.region"() ({
      %run_scoped3A = tpu.sem_alloc : memref<!tpu.dma_semaphore, #tpu.memory_space<semaphore_mem>>
      %dma_start3A_21 = arith.constant 0 : i32
      %dma_start3A_22 = tpu.memref_slice %arg5[%add3A, %dma_start3A_21] : memref<32x8192xi32, #tpu.memory_space<hbm>> -> memref<1x8192xi32, #tpu.memory_space<hbm>>
      %dma_start3A_23 = tpu.memref_squeeze %dma_start3A_22 : memref<1x8192xi32, #tpu.memory_space<hbm>> -> memref<8192xi32, #tpu.memory_space<hbm>>
      %dma_start3A_24 = arith.constant 0 : i32
      %dma_start3A_25 = tpu.memref_slice %arg5[%add3A, %dma_start3A_24] : memref<32x8192xi32, #tpu.memory_space<hbm>> -> memref<1x8192xi32, #tpu.memory_space<hbm>>
      %dma_start3A_26 = tpu.memref_squeeze %dma_start3A_25 : memref<1x8192xi32, #tpu.memory_space<hbm>> -> memref<8192xi32, #tpu.memory_space<hbm>>
      tpu.enqueue_dma source(%arg8 : memref<8192xi32, #tpu.memory_space<vmem>>) target(%dma_start3A_26 : memref<8192xi32, #tpu.memory_space<hbm>>) target_semaphore(%run_scoped3A : memref<!tpu.dma_semaphore, #tpu.memory_space<semaphore_mem>>)
      %dma_wait3A_27 = arith.constant 0 : i32
      %dma_wait3A_28 = tpu.memref_slice %arg5[%add3A, %dma_wait3A_27] : memref<32x8192xi32, #tpu.memory_space<hbm>> -> memref<1x8192xi32, #tpu.memory_space<hbm>>
      %dma_wait3A_29 = tpu.memref_squeeze %dma_wait3A_28 : memref<1x8192xi32, #tpu.memory_space<hbm>> -> memref<8192xi32, #tpu.memory_space<hbm>>
      %dma_wait3A_30 = arith.constant 0 : i32
      %dma_wait3A_31 = tpu.memref_slice %arg5[%add3A, %dma_wait3A_30] : memref<32x8192xi32, #tpu.memory_space<hbm>> -> memref<1x8192xi32, #tpu.memory_space<hbm>>
      %dma_wait3A_32 = tpu.memref_squeeze %dma_wait3A_31 : memref<1x8192xi32, #tpu.memory_space<hbm>> -> memref<8192xi32, #tpu.memory_space<hbm>>
      tpu.wait_dma2 semaphore(%run_scoped3A : memref<!tpu.dma_semaphore, #tpu.memory_space<semaphore_mem>>) src(%arg8 : memref<8192xi32, #tpu.memory_space<vmem>>) dst(%dma_wait3A_32 : memref<8192xi32, #tpu.memory_space<hbm>>)
      tpu.yield
    }) : () -> ()
    return
  }
}

module attributes {stable_mosaic.version = 14 : i64} {
  func.func @_dist_argmin_body(%arg0: i32, %arg1: memref<1024x256xf32, #tpu.memory_space<vmem>>, %arg2: memref<8192x256xf32, #tpu.memory_space<vmem>>, %arg3: memref<1024xf32, #tpu.memory_space<vmem>>, %arg4: memref<8192xf32, #tpu.memory_space<vmem>>, %arg5: memref<1024xi32, #tpu.memory_space<vmem>>, %arg6: memref<1024xf32, #tpu.memory_space<vmem>>) attributes {dimension_semantics = [#tpu.dimension_semantics<arbitrary>], iteration_bounds = array<i64: 8>, scalar_prefetch = 0 : i64, scratch_operands = 0 : i64, tpu.core_type = #tpu.core_type<tc>, window_params = [{transform_indices = @transform_0, window_bounds = array<i64: 1024, 256>}, {pipeline_mode = #tpu.pipeline_mode<synchronous>, transform_indices = @transform_1, window_bounds = array<i64: 8192, 256>}, {transform_indices = @transform_2, window_bounds = array<i64: 1024>}, {pipeline_mode = #tpu.pipeline_mode<synchronous>, transform_indices = @transform_3, window_bounds = array<i64: 8192>}, {transform_indices = @transform_4, window_bounds = array<i64: 1024>}, {transform_indices = @transform_5, window_bounds = array<i64: 1024>}]} {
    %get3A = arith.constant 0 : index
    %get3A_0 = arith.constant 0 : index
    %get3A_1 = vector.load %arg2[%get3A, %get3A_0] : memref<8192x256xf32, #tpu.memory_space<vmem>>, vector<8192x256xf32>
    %get3A_2 = arith.constant 0 : index
    %get3A_3 = arith.constant 0 : index
    %get3A_4 = vector.load %arg1[%get3A_2, %get3A_3] : memref<1024x256xf32, #tpu.memory_space<vmem>>, vector<1024x256xf32>
    %get3A_5 = arith.constant 0 : index
    %get3A_6 = arith.constant 0 : index
    %get3A_7 = vector.load %arg1[%get3A_5, %get3A_6] : memref<1024x256xf32, #tpu.memory_space<vmem>>, vector<1024x256xf32>
    %add3A = arith.addf %get3A_4, %get3A_7 : vector<1024x256xf32>
    %dot_general3A = arith.constant dense<0.000000e+00> : vector<8192x1024xf32>
    %dot_general3A_8 = tpu.matmul %get3A_1, %add3A, %dot_general3A {dimension_numbers = #tpu.dot_dimension_numbers<[1], [1], [0], [0], [0, 0, 1, 0], [], []>, transpose_lhs_hint = false} : vector<8192x256xf32>, vector<1024x256xf32>, vector<8192x1024xf32> -> vector<8192x1024xf32>
    %get3A_9 = arith.constant 0 : index
    %get3A_10 = vector.load %arg3[%get3A_9] : memref<1024xf32, #tpu.memory_space<vmem>>, vector<1024xf32>
    %broadcast_in_dim3A = vector.shape_cast %get3A_10 : vector<1024xf32> to vector<1x1024xf32>
    %get3A_11 = arith.constant 0 : index
    %get3A_12 = vector.load %arg4[%get3A_11] : memref<8192xf32, #tpu.memory_space<vmem>>, vector<8192xf32>
    %broadcast_in_dim3A_13 = vector.shape_cast %get3A_12 : vector<8192xf32> to vector<8192x1xf32>
    %add3A_14 = vector.broadcast %broadcast_in_dim3A : vector<1x1024xf32> to vector<8192x1024xf32>
    %add3A_15 = vector.broadcast %broadcast_in_dim3A_13 : vector<8192x1xf32> to vector<8192x1024xf32>
    %add3A_16 = arith.addf %add3A_14, %add3A_15 : vector<8192x1024xf32>
    %sub3A = arith.subf %add3A_16, %dot_general3A_8 : vector<8192x1024xf32>
    %iota3A = tpu.iota {dimensions = array<i32: 0>} : vector<8192x1024xi32>
    %broadcast_in_dim3A_17 = arith.constant 0x7F800000 : f32
    %broadcast_in_dim3A_18 = vector.broadcast %broadcast_in_dim3A_17 : f32 to vector<1024xf32>
    %broadcast_in_dim3A_19 = arith.constant 0.000000e+00 : f32
    %broadcast_in_dim3A_20 = vector.broadcast %broadcast_in_dim3A_19 : f32 to vector<1024xf32>
    %broadcast_in_dim3A_21 = arith.constant 0 : i32
    %broadcast_in_dim3A_22 = vector.broadcast %broadcast_in_dim3A_21 : i32 to vector<1024xi32>
    %slice3A = vector.extract_strided_slice %sub3A {offsets = [0, 0], sizes = [2048, 1024], strides = [1, 1]} : vector<8192x1024xf32> to vector<2048x1024xf32>
    %reduce_min3A = arith.constant dense<0x7F800000> : vector<1024xf32>
    %reduce_min3A_23 = vector.multi_reduction <minimumf>, %slice3A, %reduce_min3A [0] : vector<2048x1024xf32> to vector<1024xf32>
    %broadcast_in_dim3A_24 = vector.shape_cast %reduce_min3A_23 : vector<1024xf32> to vector<1x1024xf32>
    %eq3A = vector.broadcast %broadcast_in_dim3A_24 : vector<1x1024xf32> to vector<2048x1024xf32>
    %eq3A_25 = arith.cmpf oeq, %slice3A, %eq3A : vector<2048x1024xf32>
    %slice3A_26 = vector.extract_strided_slice %iota3A {offsets = [0, 0], sizes = [2048, 1024], strides = [1, 1]} : vector<8192x1024xi32> to vector<2048x1024xi32>
    %jit3A = arith.constant 1073741824 : i32
    %broadcast_in_dim3A_27 = vector.broadcast %jit3A : i32 to vector<2048x1024xi32>
    %select_n3A = arith.select %eq3A_25, %slice3A_26, %broadcast_in_dim3A_27 : vector<2048x1024xi1>, vector<2048x1024xi32>
    %reduce_min3A_28 = arith.constant dense<2147483647> : vector<1024xi32>
    %reduce_min3A_29 = vector.multi_reduction <minsi>, %select_n3A, %reduce_min3A_28 [0] : vector<2048x1024xi32> to vector<1024xi32>
    %lt3A = arith.cmpf olt, %reduce_min3A_23, %broadcast_in_dim3A_18 : vector<1024xf32>
    %convert_element_type3A = arith.truncf %reduce_min3A_23 : vector<1024xf32> to vector<1024xbf16>
    %convert_element_type3A_30 = arith.extf %convert_element_type3A : vector<1024xbf16> to vector<1024xf32>
    %select_n3A_31 = arith.select %lt3A, %convert_element_type3A_30, %broadcast_in_dim3A_18 : vector<1024xi1>, vector<1024xf32>
    %select_n3A_32 = arith.select %lt3A, %reduce_min3A_23, %broadcast_in_dim3A_20 : vector<1024xi1>, vector<1024xf32>
    %select_n3A_33 = arith.select %lt3A, %reduce_min3A_29, %broadcast_in_dim3A_22 : vector<1024xi1>, vector<1024xi32>
    %slice3A_34 = vector.extract_strided_slice %sub3A {offsets = [2048, 0], sizes = [2048, 1024], strides = [1, 1]} : vector<8192x1024xf32> to vector<2048x1024xf32>
    %reduce_min3A_35 = arith.constant dense<0x7F800000> : vector<1024xf32>
    %reduce_min3A_36 = vector.multi_reduction <minimumf>, %slice3A_34, %reduce_min3A_35 [0] : vector<2048x1024xf32> to vector<1024xf32>
    %broadcast_in_dim3A_37 = vector.shape_cast %reduce_min3A_36 : vector<1024xf32> to vector<1x1024xf32>
    %eq3A_38 = vector.broadcast %broadcast_in_dim3A_37 : vector<1x1024xf32> to vector<2048x1024xf32>
    %eq3A_39 = arith.cmpf oeq, %slice3A_34, %eq3A_38 : vector<2048x1024xf32>
    %slice3A_40 = vector.extract_strided_slice %iota3A {offsets = [2048, 0], sizes = [2048, 1024], strides = [1, 1]} : vector<8192x1024xi32> to vector<2048x1024xi32>
    %jit3A_41 = arith.constant 1073741824 : i32
    %broadcast_in_dim3A_42 = vector.broadcast %jit3A_41 : i32 to vector<2048x1024xi32>
    %select_n3A_43 = arith.select %eq3A_39, %slice3A_40, %broadcast_in_dim3A_42 : vector<2048x1024xi1>, vector<2048x1024xi32>
    %reduce_min3A_44 = arith.constant dense<2147483647> : vector<1024xi32>
    %reduce_min3A_45 = vector.multi_reduction <minsi>, %select_n3A_43, %reduce_min3A_44 [0] : vector<2048x1024xi32> to vector<1024xi32>
    %lt3A_46 = arith.cmpf olt, %reduce_min3A_36, %select_n3A_31 : vector<1024xf32>
    %convert_element_type3A_47 = arith.truncf %reduce_min3A_36 : vector<1024xf32> to vector<1024xbf16>
    %convert_element_type3A_48 = arith.extf %convert_element_type3A_47 : vector<1024xbf16> to vector<1024xf32>
    %select_n3A_49 = arith.select %lt3A_46, %convert_element_type3A_48, %select_n3A_31 : vector<1024xi1>, vector<1024xf32>
    %select_n3A_50 = arith.select %lt3A_46, %reduce_min3A_36, %select_n3A_32 : vector<1024xi1>, vector<1024xf32>
    %select_n3A_51 = arith.select %lt3A_46, %reduce_min3A_45, %select_n3A_33 : vector<1024xi1>, vector<1024xi32>
    %slice3A_52 = vector.extract_strided_slice %sub3A {offsets = [4096, 0], sizes = [2048, 1024], strides = [1, 1]} : vector<8192x1024xf32> to vector<2048x1024xf32>
    %reduce_min3A_53 = arith.constant dense<0x7F800000> : vector<1024xf32>
    %reduce_min3A_54 = vector.multi_reduction <minimumf>, %slice3A_52, %reduce_min3A_53 [0] : vector<2048x1024xf32> to vector<1024xf32>
    %broadcast_in_dim3A_55 = vector.shape_cast %reduce_min3A_54 : vector<1024xf32> to vector<1x1024xf32>
    %eq3A_56 = vector.broadcast %broadcast_in_dim3A_55 : vector<1x1024xf32> to vector<2048x1024xf32>
    %eq3A_57 = arith.cmpf oeq, %slice3A_52, %eq3A_56 : vector<2048x1024xf32>
    %slice3A_58 = vector.extract_strided_slice %iota3A {offsets = [4096, 0], sizes = [2048, 1024], strides = [1, 1]} : vector<8192x1024xi32> to vector<2048x1024xi32>
    %jit3A_59 = arith.constant 1073741824 : i32
    %broadcast_in_dim3A_60 = vector.broadcast %jit3A_59 : i32 to vector<2048x1024xi32>
    %select_n3A_61 = arith.select %eq3A_57, %slice3A_58, %broadcast_in_dim3A_60 : vector<2048x1024xi1>, vector<2048x1024xi32>
    %reduce_min3A_62 = arith.constant dense<2147483647> : vector<1024xi32>
    %reduce_min3A_63 = vector.multi_reduction <minsi>, %select_n3A_61, %reduce_min3A_62 [0] : vector<2048x1024xi32> to vector<1024xi32>
    %lt3A_64 = arith.cmpf olt, %reduce_min3A_54, %select_n3A_49 : vector<1024xf32>
    %convert_element_type3A_65 = arith.truncf %reduce_min3A_54 : vector<1024xf32> to vector<1024xbf16>
    %convert_element_type3A_66 = arith.extf %convert_element_type3A_65 : vector<1024xbf16> to vector<1024xf32>
    %select_n3A_67 = arith.select %lt3A_64, %convert_element_type3A_66, %select_n3A_49 : vector<1024xi1>, vector<1024xf32>
    %select_n3A_68 = arith.select %lt3A_64, %reduce_min3A_54, %select_n3A_50 : vector<1024xi1>, vector<1024xf32>
    %select_n3A_69 = arith.select %lt3A_64, %reduce_min3A_63, %select_n3A_51 : vector<1024xi1>, vector<1024xi32>
    %slice3A_70 = vector.extract_strided_slice %sub3A {offsets = [6144, 0], sizes = [2048, 1024], strides = [1, 1]} : vector<8192x1024xf32> to vector<2048x1024xf32>
    %reduce_min3A_71 = arith.constant dense<0x7F800000> : vector<1024xf32>
    %reduce_min3A_72 = vector.multi_reduction <minimumf>, %slice3A_70, %reduce_min3A_71 [0] : vector<2048x1024xf32> to vector<1024xf32>
    %broadcast_in_dim3A_73 = vector.shape_cast %reduce_min3A_72 : vector<1024xf32> to vector<1x1024xf32>
    %eq3A_74 = vector.broadcast %broadcast_in_dim3A_73 : vector<1x1024xf32> to vector<2048x1024xf32>
    %eq3A_75 = arith.cmpf oeq, %slice3A_70, %eq3A_74 : vector<2048x1024xf32>
    %slice3A_76 = vector.extract_strided_slice %iota3A {offsets = [6144, 0], sizes = [2048, 1024], strides = [1, 1]} : vector<8192x1024xi32> to vector<2048x1024xi32>
    %jit3A_77 = arith.constant 1073741824 : i32
    %broadcast_in_dim3A_78 = vector.broadcast %jit3A_77 : i32 to vector<2048x1024xi32>
    %select_n3A_79 = arith.select %eq3A_75, %slice3A_76, %broadcast_in_dim3A_78 : vector<2048x1024xi1>, vector<2048x1024xi32>
    %reduce_min3A_80 = arith.constant dense<2147483647> : vector<1024xi32>
    %reduce_min3A_81 = vector.multi_reduction <minsi>, %select_n3A_79, %reduce_min3A_80 [0] : vector<2048x1024xi32> to vector<1024xi32>
    %lt3A_82 = arith.cmpf olt, %reduce_min3A_72, %select_n3A_67 : vector<1024xf32>
    %select_n3A_83 = arith.select %lt3A_82, %reduce_min3A_72, %select_n3A_68 : vector<1024xi1>, vector<1024xf32>
    %select_n3A_84 = arith.select %lt3A_82, %reduce_min3A_81, %select_n3A_69 : vector<1024xi1>, vector<1024xi32>
    %swap3A = arith.constant 0 : index
    %swap3A_85 = vector.load %arg5[%swap3A] : memref<1024xi32, #tpu.memory_space<vmem>>, vector<1024xi32>
    tpu.vector_store %arg5[%swap3A], %select_n3A_84 {strides = array<i32>} : memref<1024xi32, #tpu.memory_space<vmem>>, vector<1024xi32>,
    %swap3A_86 = arith.constant 0 : index
    %swap3A_87 = vector.load %arg6[%swap3A_86] : memref<1024xf32, #tpu.memory_space<vmem>>, vector<1024xf32>
    tpu.vector_store %arg6[%swap3A_86], %select_n3A_83 {strides = array<i32>} : memref<1024xf32, #tpu.memory_space<vmem>>, vector<1024xf32>,
    return
  }
  func.func @transform_0(%arg0: i32) -> (i32, i32) {
    %c0_i32 = arith.constant 0 : i32
    %c0_i32_0 = arith.constant 0 : i32
    return %arg0, %c0_i32 : i32, i32
  }
  func.func @transform_1(%arg0: i32) -> (i32, i32) {
    %c0_i32 = arith.constant 0 : i32
    %c0_i32_0 = arith.constant 0 : i32
    %c0_i32_1 = arith.constant 0 : i32
    return %c0_i32, %c0_i32_0 : i32, i32
  }
  func.func @transform_2(%arg0: i32) -> i32 {
    %c0_i32 = arith.constant 0 : i32
    return %arg0 : i32
  }
  func.func @transform_3(%arg0: i32) -> i32 {
    %c0_i32 = arith.constant 0 : i32
    %c0_i32_0 = arith.constant 0 : i32
    return %c0_i32 : i32
  }
  func.func @transform_4(%arg0: i32) -> i32 {
    %c0_i32 = arith.constant 0 : i32
    return %arg0 : i32
  }
  func.func @transform_5(%arg0: i32) -> i32 {
    %c0_i32 = arith.constant 0 : i32
    return %arg0 : i32
  }
}

module attributes {stable_mosaic.version = 14 : i64} {
  func.func @_stats_body(%arg0: memref<32x8192xi32, #tpu.memory_space<vmem>>, %arg1: memref<8192xf32, #tpu.memory_space<vmem>>, %arg2: memref<8192xi32, #tpu.memory_space<vmem>>, %arg3: memref<1x1xf32, #tpu.memory_space<smem>>, %arg4: memref<1x1xf32, #tpu.memory_space<smem>>) attributes {dimension_semantics = [], scalar_prefetch = 0 : i64, scratch_operands = 0 : i64, tpu.core_type = #tpu.core_type<tc>} {
    %get3A = arith.constant 0 : index
    %get3A_0 = arith.constant 0 : index
    %get3A_1 = vector.load %arg0[%get3A, %get3A_0] : memref<32x8192xi32, #tpu.memory_space<vmem>>, vector<32x8192xi32>
    %reduce_sum3A = arith.constant dense<0> : vector<8192xi32>
    %reduce_sum3A_2 = vector.multi_reduction <add>, %get3A_1, %reduce_sum3A [0] : vector<32x8192xi32> to vector<8192xi32>
    %swap3A = arith.constant 0 : index
    %swap3A_3 = vector.load %arg2[%swap3A] : memref<8192xi32, #tpu.memory_space<vmem>>, vector<8192xi32>
    tpu.vector_store %arg2[%swap3A], %reduce_sum3A_2 {strides = array<i32>} : memref<8192xi32, #tpu.memory_space<vmem>>, vector<8192xi32>,
    %convert_element_type3A = arith.sitofp %reduce_sum3A_2 : vector<8192xi32> to vector<8192xf32>
    %mul3A = arith.constant 1.22070313E-4 : f32
    %mul3A_4 = vector.broadcast %mul3A : f32 to vector<8192xf32>
    %mul3A_5 = arith.mulf %convert_element_type3A, %mul3A_4 : vector<8192xf32>
    %add3A = arith.constant 1.000000e-10 : f32
    %add3A_6 = vector.broadcast %add3A : f32 to vector<8192xf32>
    %add3A_7 = arith.addf %mul3A_5, %add3A_6 : vector<8192xf32>
    %log3A = math.log %add3A_7 : vector<8192xf32>
    %mul3A_8 = arith.mulf %mul3A_5, %log3A : vector<8192xf32>
    %reduce_sum3A_9 = vector.shape_cast %mul3A_8 : vector<8192xf32> to vector<1x8192xf32>
    %reduce_sum3A_10 = arith.constant dense<0.000000e+00> : vector<1xf32>
    %reduce_sum3A_11 = vector.multi_reduction <add>, %reduce_sum3A_9, %reduce_sum3A_10 [1] : vector<1x8192xf32> to vector<1xf32>
    %reduce_sum3A_12 = vector.shape_cast %reduce_sum3A_11 : vector<1xf32> to vector<1x1xf32>
    %reduce_sum3A_13 = vector.extract %reduce_sum3A_12[0, 0] : f32 from vector<1x1xf32>
    %neg3A = arith.constant 0.000000e+00 : f32
    %neg3A_14 = arith.subf %neg3A, %reduce_sum3A_13 : f32
    %exp3A = math.exp %neg3A_14 : f32
    %swap3A_15 = arith.constant 0 : index
    %swap3A_16 = arith.constant 0 : index
    %swap3A_17 = memref.load %arg3[%swap3A_15, %swap3A_16] : memref<1x1xf32, #tpu.memory_space<smem>>
    memref.store %exp3A, %arg3[%swap3A_15, %swap3A_16] : memref<1x1xf32, #tpu.memory_space<smem>>
    %get3A_18 = arith.constant 0 : index
    %get3A_19 = vector.load %arg1[%get3A_18] : memref<8192xf32, #tpu.memory_space<vmem>>, vector<8192xf32>
    %reduce_sum3A_20 = vector.shape_cast %get3A_19 : vector<8192xf32> to vector<1x8192xf32>
    %reduce_sum3A_21 = arith.constant dense<0.000000e+00> : vector<1xf32>
    %reduce_sum3A_22 = vector.multi_reduction <add>, %reduce_sum3A_20, %reduce_sum3A_21 [1] : vector<1x8192xf32> to vector<1xf32>
    %reduce_sum3A_23 = vector.shape_cast %reduce_sum3A_22 : vector<1xf32> to vector<1x1xf32>
    %reduce_sum3A_24 = vector.extract %reduce_sum3A_23[0, 0] : f32 from vector<1x1xf32>
    %mul3A_25 = arith.constant 4.76837158E-7 : f32
    %mul3A_26 = arith.mulf %reduce_sum3A_24, %mul3A_25 : f32
    %mul3A_27 = arith.constant 2.500000e-01 : f32
    %mul3A_28 = arith.mulf %mul3A_27, %mul3A_26 : f32
    %add3A_29 = arith.addf %mul3A_28, %mul3A_26 : f32
    %swap3A_30 = arith.constant 0 : index
    %swap3A_31 = arith.constant 0 : index
    %swap3A_32 = memref.load %arg4[%swap3A_30, %swap3A_31] : memref<1x1xf32, #tpu.memory_space<smem>>
    memref.store %add3A_29, %arg4[%swap3A_30, %swap3A_31] : memref<1x1xf32, #tpu.memory_space<smem>>
    return
  }
}

</mosaic_0001>

<sc_bundles>
// kernel: kernel.5.cloned.1.call-start
scs
__scs_entry_jumppad:
0x0: {  	(pc) =	sbr.rel $0x88, $3  }
0x1: {  	(tag) =	ssettag $0x0;
	lr =	simm.s32 $0x1  }
0x2: {  	[smem:$0x3F9F] =	sst lr;
	_ =	strace $0xD0000000  }
0x3: {  	_ = 	snop  }
0x4: {  	_ = 	snop  }
0x5: {  	_ = 	snop  }
0x6: {  	_ = 	snop  }
0x7: {  	_ = 	snop  }
__scs_overlays_trampoline_lowered:
0x8: {  	[smem:$0x3FAE] =	sst s0  }
0x9: {  	[smem:$0x3FAF] =	sst s1  }
0xa: {  	[smem:$0x3FB0] =	sst s2  }
0xb: {  	[smem:$0x3FB1] =	sst s3  }
0xc: {  	[smem:$0x3FB2] =	sst s4  }
0xd: {  	[smem:$0x3FB3] =	sst s5  }
0xe: {  	[smem:$0x3FB4] =	sst s6  }
0xf: {  	[smem:$0x3FB5] =	sst s7  }
0x10: {  	[smem:$0x3FB6] =	sst s8  }
0x11: {  	[smem:$0x3FB7] =	sst s9;
	s0 =	simm.s32 @!p0 $0x0  }
0x12: {  	s1 =	sld [smem:$0x3F9D];
	s0 =	simm.s32 @p0 $0x1  }
0x13: {  	[smem:$0x3FB8] =	sst s0;
	s0 =	simm.s32 @!p1 $0x0  }
0x14: {  	s2 =	sld [smem:$0x3F9C];
	s0 =	simm.s32 @p1 $0x1  }
0x15: {  	[smem:$0x3FB9] =	sst s0;
	s0 =	simm.s32 @!p2 $0x0  }
0x16: {  	s3 =	sld [smem:$0x3FDB];
	s0 =	simm.s32 @p2 $0x1  }
0x17: {  	s4 =	simm.s32 $0x1BF5;
	[smem:$0x3FBB] =	sst s0  }
0x18: {  	s0 =	sld [smem:$0x3F9E];
	_ =	swait.ge [sflag:s4], $0x0  }
0x19: {  	s7 =	sld [smem:$0x3F9F]  }
0x1a: {  	s8 =	sadd.s32 $0xFFFFE003, lr  }
0x1b: {  	s9 =	sadd.s32 $0xFFFFFEF7, lr;
	s5 =	simm.s32 $0xFFFFFFFF;
	p2 =	slt.u32 s8, $0xFFFFF086  }
0x1c: {  	p1 =	slt.u32 s9, $0xF7A;
	s5 =	simm.s32 @!p2 $0x0  }
0x1d: {  	s5 =	simm.s32 @p1 $0x1;
	p0 =	seq.s32 s7, s2  }
0x1e: {  	s7 =	smul.u32 @!p0 $0xF7A, s2;
	p2 =	seq.s32 @!p0 s5, $0x0  }
0x1f: {  	s9 =	smul.u32 $0xF7A, s1;
	s8 =	simm.s32 @!p0 $0x1BF5;
	p2 =	por !p2, p0  }
0x20: {  	[sflag:s8] =	ssyncset.s32 @!p0 $0xFFFFF086;
	s6 =	sadd.s32 @!p0 s3, s7;
	s7 =	simm.s32 @!p0 $0x108  }
0x21: {  	s3 =	sadd.s32 s3, s9;
	s6 =	sadd.s32 @!p0 $0x88, s6;
	s7 =	simm.s32 @p2 $0x1082  }
0x22: {  	[simem:s7], [sflag:s8] =	dma.local @!p0 [hbm:s6], $0xF7A  }
0x23: {  	s9 =	sor.u32 $0xD0000000, s2;
	s6 =	simm.s32 $0x108;
	_ =	swait.ge @!p0 [sflag:s8], $0x0  }
0x24: {  	s3 =	sadd.s32 $0x88, s3;
	s6 =	simm.s32 @!p1 $0x1082;
	[sflag:s4] =	ssyncset.s32 $0xFFFFF086  }
0x25: {  	[simem:s6], [sflag:s4] =	dma.local [hbm:s3], $0xF7A  }
0x26: {  	[smem:$0x3F9F] =	sst s1;
	(tag) =	ssettag s2;
	_ =	strace s9  }
0x27: {  	s1 =	sld [smem:$0x3FAF]  }
0x28: {  	s2 =	sld [smem:$0x3FB0]  }
0x29: {  	s4 =	sld [smem:$0x3FB2]  }
0x2a: {  	p0 =	seq.s32 s5, $0x0;
	s5 =	sld [smem:$0x3FB3]  }
0x2b: {  	s6 =	sld [smem:$0x3FB4]  }
0x2c: {  	s7 =	sld [smem:$0x3FB5]  }
0x2d: {  	s3 =	simm.s32 $0x108;
	s8 =	sld [smem:$0x3FB6]  }
0x2e: {  	s3 =	simm.s32 @!p0 $0x1082;
	s9 =	sld [smem:$0x3FB7]  }
0x2f: {  	lr =	sadd.s32 s0, s3;
	s0 =	sld [smem:$0x3FAE]  }
0x30: {  	s3 =	sld [smem:$0x3FB1]  }
0x31: {  	[smem:$0x3FBA] =	sst s10  }
0x32: {  	s10 =	sld [smem:$0x3FB8];
	_ =	sdelay $0x3  }
0x33: {  	p0 =	seq.s32 s10, $0x1;
	s10 =	sld [smem:$0x3FBA];
	_ =	sdelay $0x3  }
0x34: {  	[smem:$0x3FBA] =	sst s10  }
0x35: {  	s10 =	sld [smem:$0x3FB9];
	_ =	sdelay $0x3  }
0x36: {  	p1 =	seq.s32 s10, $0x1;
	s10 =	sld [smem:$0x3FBA];
	_ =	sdelay $0x3  }
0x37: {  	[smem:$0x3FBA] =	sst s10  }
0x38: {  	s10 =	sld [smem:$0x3FBB]  }
0x39: {  	_ = 	snop;
	(pc) =	sbr.ind lr, $3  }
0x3a: {  	_ = 	snop  }
0x3b: {  	_ = 	snop  }
0x3c: {  	p2 =	seq.s32 s10, $0x1;
	s10 =	sld [smem:$0x3FBA]  }
0x3d: {  	_ =	shalt  }
0x3e: {  	_ =	shalt  }
0x3f: {  	_ =	shalt  }
0x40: {  	_ =	shalt  }
0x41: {  	_ =	shalt  }
0x42: {  	_ =	shalt  }
0x43: {  	_ =	shalt  }
0x44: {  	_ =	shalt  }
0x45: {  	_ =	shalt  }
0x46: {  	_ =	shalt  }
0x47: {  	_ =	shalt  }
0x48: {  	_ =	shalt  }
0x49: {  	_ =	shalt  }
0x4a: {  	_ =	shalt  }
0x4b: {  	_ =	shalt  }
0x4c: {  	_ =	shalt  }
0x4d: {  	_ =	shalt  }
0x4e: {  	_ =	shalt  }
0x4f: {  	_ =	shalt  }
0x50: {  	_ =	shalt  }
0x51: {  	_ =	shalt  }
0x52: {  	_ =	shalt  }
0x53: {  	_ =	shalt  }
0x54: {  	_ =	shalt  }
0x55: {  	_ =	shalt  }
0x56: {  	_ =	shalt  }
0x57: {  	_ =	shalt  }
0x58: {  	_ =	shalt  }
0x59: {  	_ =	shalt  }
0x5a: {  	_ =	shalt  }
0x5b: {  	_ =	shalt  }
0x5c: {  	_ =	shalt  }
0x5d: {  	_ =	shalt  }
0x5e: {  	_ =	shalt  }
0x5f: {  	_ =	shalt  }
0x60: {  	_ =	shalt  }
0x61: {  	_ =	shalt  }
0x62: {  	_ =	shalt  }
0x63: {  	_ =	shalt  }
0x64: {  	_ =	shalt  }
0x65: {  	_ =	shalt  }
0x66: {  	_ =	shalt  }
0x67: {  	_ =	shalt  }
0x68: {  	_ =	shalt  }
0x69: {  	_ =	shalt  }
0x6a: {  	_ =	shalt  }
0x6b: {  	_ =	shalt  }
0x6c: {  	_ =	shalt  }
0x6d: {  	_ =	shalt  }
0x6e: {  	_ =	shalt  }
0x6f: {  	_ =	shalt  }
0x70: {  	_ =	shalt  }
0x71: {  	_ =	shalt  }
0x72: {  	_ =	shalt  }
0x73: {  	_ =	shalt  }
0x74: {  	_ =	shalt  }
0x75: {  	_ =	shalt  }
0x76: {  	_ =	shalt  }
0x77: {  	_ =	shalt  }
0x78: {  	_ =	shalt  }
0x79: {  	_ =	shalt  }
0x7a: {  	_ =	shalt  }
0x7b: {  	_ =	shalt  }
0x7c: {  	_ =	shalt  }
0x7d: {  	_ =	shalt  }
0x7e: {  	_ =	shalt  }
0x7f: {  	_ =	shalt  }
0x80: {  	_ =	shalt  }
0x81: {  	_ =	shalt  }
0x82: {  	_ =	shalt  }
0x83: {  	_ =	shalt  }
0x84: {  	_ =	shalt  }
0x85: {  	_ =	shalt  }
0x86: {  	_ =	shalt  }
0x87: {  	_ =	shalt  }
.Lfunc_end0:
.L_simem_size_0:
called_computation_lowered:
.L_overlay_start_0:
0x88: {  	s2 =	sld [smem:$0x3FD9]  }
0x89: {  	s3 =	sld [smem:$0x3FFE];
	_ =	sdelay $0x1  }
0x8a: {  	s1 =	srdreg.scid  }
0x8b: {  	s0 =	sand.u32 $0x1, s1  }
0x8c: {  	s14 =	sshll.u32 s0, $0xA;
	s2 =	sadd.s32 s3, s2  }
0x8d: {  	s2 =	sadd.s32 s2, s14  }
0x8e: {  	[smem:$0x3FC6] =	sst s2  }
0x8f: {  	_ = 	snop  }
0x90: {  	s2 =	sld [smem:$0x3FD0];
	_ =	sdelay $0x2  }
0x91: {  	s4 =	simm.s32 $0xA;
	s5 =	simm.s32 $0x10;
	s15 =	sld [smem:$0x3FC8]  }
0x92: {  	[smem:s5], [sflag:s4] =	dma.local [hbm:s2], $0x1  }
0x93: {  	_ =	swait.eq [sflag:s4], $0x1  }
0x94: {  	[sflag:s4] =	ssyncset.done $0x0  }
0x95: {  	[sflag:s4] =	ssyncadd.s32 $0xFFFFFFFF  }
0x96: {  	s16 =	sld [smem:$0x10];
	(tm) =	ssettm $0x1  }
0x97: {  	s17 =	sld [smem:$0x3FFB];
	_ =	sdelay $0x3  }
0x98: {  	_ =	strace s17  }
0x99: {  	s4 =	sld [smem:$0x3FFC];
	_ =	sdelay $0x3  }
0x9a: {  	_ =	strace s4  }
0x9b: {  	s4 =	sld [smem:$0x3FFD];
	_ =	sdelay $0x3  }
0x9c: {  	_ =	strace s4  }
0x9d: {  	_ =	strace $0x8FFFFFFF  }
0x9e: {  	s18 =	sld [smem:$0x3FDB];
	_ =	sdelay $0x1  }
0x9f: {  	s19 =	simm.s32 $_scs_section_size  }
0xa0: {  	s6 =	simm.s32 $_size__tile_overlayer_lowered;
	s7 =	simm.s32 $_tile_overlayer_lowered  }
0xa1: {  	s22 =	simm.s32 $0x1BFF;
	s21 =	sshll.u32 s7, $0x1;
	s4 =	sadd.s32 s19, s18  }
0xa2: {  	s8 =	simm.s32 $0x0;
	s20 =	sshll.u32 s6, $0x1;
	s6 =	sadd.s32 s21, s4  }
0xa3: {  	[timem:s8], [sflag:s22] =	dma.local [hbm:s6], s20  }
0xa4: {  	_ =	swait.ge [sflag:s22], s20  }
0xa5: {  	s5 =	ssub.s32 $0x0, s20;
	[sflag:s22] =	ssyncset.done $0x0  }
0xa6: {  	[sflag:s22] =	ssyncadd.s32 s5;
	_ =	sdelay $0x1  }
0xa7: {  	s23 =	simm.s32 $0x1B8B  }
0xa8: {  	_ =	swait.ge [sflag:s23], $0x1  }
0xa9: {  	[sflag:s23] =	ssyncset.done $0x0  }
0xaa: {  	s25 =	simm.s32 $0x1B8E;
	s24 =	sld [smem:$0x3FFE];
	[sflag:s23] =	ssyncadd.s32 $0xFFFFFFFF  }
0xab: {  	s26 =	simm.s32 $execute0_lowered;
	[smem:$0x3FD2] =	sst s25  }
0xac: {  	s6 =	sshll.u32 s26, $0x1;
	_ =	strace $0x80000046;
	[dreg:$0x1] =	wrdreg $0xFFFFFFFF  }
0xad: {  	s28 =	simm.s32 $_size_execute0_lowered;
	s4 =	sadd.s32 s4, s6;
	[dreg:$0x0] =	wrdreg $0x0  }
0xae: {  	s6 =	sshll.u32 s28, $0x1;
	[dreg:$0x2] =	wrdreg s4  }
0xaf: {  	[dreg:$0x3] =	wrdreg s6  }
0xb0: {  	[dreg:$0x4] =	wrdreg $0xC0  }
0xb1: {  	_ =	task [dreg:s8], $0x5FFFF  }
0xb2: {  	[dreg:$0x1] =	wrdreg $0xFFFFFFFF  }
0xb3: {  	[dreg:$0x0] =	wrdreg $0x60  }
0xb4: {  	[dreg:$0x2] =	wrdreg s15  }
0xb5: {  	[dreg:$0x3] =	wrdreg s24  }
0xb6: {  	[dreg:$0x4] =	wrdreg s16  }
0xb7: {  	[dreg:$0x5] =	wrdreg $0x9  }
0xb8: {  	_ =	task.clear_ibuf [dreg:s8], $0x6FFFF;
	_ =	strace $0x90000046  }
0xb9: {  	s29 =	simm.s32 $0x9;
	_ =	strace $0x80000048  }
0xba: {  	_ =	swait.ge [sflag:s29], $0x1  }
0xbb: {  	[sflag:s29] =	ssyncadd.s32 $0xFFFFFFFF  }
0xbc: {  	_ =	strace $0x90000048  }
0xbd: {  	_ =	sfence  }
0xbe: {  	s30 =	sld [smem:$0x0];
	_ =	sdelay $0x2  }
0xbf: {  	s31 =	sshll.u32 s1, $0xD;
	s1 =	sshrl.u32 s1, $0x2  }
0xc0: {  	s3 =	sand.u32 $0x4000, s31;
	s1 =	sadd.s32 s1, s30  }
0xc1: {  	s0 =	sor.u32 s3, s0;
	s1 =	sshll.u32 s1, $0x11  }
0xc2: {  	s0 =	sor.u32 s1, s0  }
0xc3: {  	s0 =	sadd.s32 $0x8F2B, s0  }
0xc4: {  	[sflag:s0] =	ssyncadd.remote.s32 $0x1  }
0xc5: {  	_ =	sfence.sel $0xFFFF  }
0xc6: {  	[dreg:$0x0] =	wrdreg $0xFFFFFFFF;
	(pc) =	sbr.abs _section_cstart, $3  }
0xc7: {  	[dreg:$0x1] =	wrdreg $0xFFFFFFFF  }
0xc8: {  	_ =	task.clear_ibuf [dreg:s8], $0x2FFFF;
	_ =	strace $0x9FFFFFFF  }
0xc9: {  	(tm) =	ssettm $0x7FFFFFFF  }
tec
execute0_lowered:
.L_overlay_start_1:
0x0: {  	(tag) =	ssettag $0x1  }
0x1: {  	s1 =	rddreg [dreg:$0x0]  }
0x2: {  	s0 =	rddreg [dreg:$0x1]  }
0x3: {  	s2 =	srdreg.scid;
	s3 =	stileid.u32  }
0x4: {  	s5 =	rddreg [dreg:$0x2];
	s9 =	simm.s32 $0x100;
	s25 =	simm.s32 $0x8100  }
0x5: {  	s26 =	simm.s32 $0x8900;
	s28 =	simm.s32 $0x9100;
	s29 =	simm.s32 $0x9900  }
0x6: {  	s30 =	simm.s32 $0xA100;
	s31 =	simm.s32 $0xA900;
	s10 =	simm.s32 $0xC100  }
0x7: {  	s11 =	simm.s32 $0xC900;
	s12 =	simm.s32 $0xD100;
	s13 =	simm.s32 $0xD900  }
0x8: {  	s14 =	simm.s32 $0xE100;
	s15 =	simm.s32 $0xE900;
	s16 =	simm.s32 $0xF100  }
0x9: {  	s17 =	simm.s32 $0xF900;
	s18 =	simm.s32 $0x10100;
	s19 =	simm.s32 $0x1  }
0xa: {  	s20 =	simm.s32 $0x80;
	s2 =	sand.u32 $0x1, s2;
	s3 =	sshll.u32 s3, $0x1  }
0xb: {  	s21 =	simm.s32 $0x400;
	s22 =	simm.s32 $0x0;
	s4 =	sor.u32 s2, s3  }
0xc: {  	s3 =	simm.s32 $0x0;
	s2 =	ssub.s32 $0x2, s2;
	s6 =	sshll.u32 s4, $0xD  }
0xd: {  	s7 =	sshll.u32 s4, $0x7;
	[smem:$0x7FF] =	sst s3;
	s4 =	sshll.u32 s4, $0x5  }
0xe: {  	s8 =	sshrl.u32 s2, $0x1;
	s7 =	sor.u32 s7, s6;
	_ =	strace $0x80000047  }
0xf: {  	s4 =	sadd.s32 s4, s0;
	s2 =	ssub.s32 s2, s8;
	s7 =	sand.u32 $0x30380, s7  }
0x10: {  	v2 =	vlaneseq.u32;
	vm0 =	vmmov $0xffff;
	s5 =	sadd.s32 s5, s6;
	s8 =	simm.s32 $0x2;
	s7 =	sshrl.u32 s7, $0x3  }
0x11: {  	v3 =	vimm.s32 $0x0;
	v4 =	vimm.s32 $0x1;
	v1 =	vshrl.u32 v2, $0x3;
	s4 =	sadd.s32 $0x800, s4;
	s0 =	sadd.s32 s7, s0;
	s7 =	smax.u32 s2, $0x1  }
0x12: {  	v0 =	vand.u32 $0x7, v2;
	v2 =	vor.u32 $0x8, v2;
	v1 =	vmul.u32 $0x8, v1;
	s2 =	simm.s32 $0xB100;
	s6 =	sadd.s32 $0x1000, s0;
	s0 =	simm.s32 $0xB900  }
.LBB2_1:
0x13: {  	[tilespmem:s3], [sflag:$0x2] =	stream.linear.gather [hbm4b:s4+s3], $0x100, $0x38;
	[tilespmem:$0x12100] =	vst v63  }
0x14: {  	_ =	swait.ge [sflag:s8], $0x100  }
0x15: {  	[sflag:s8] =	ssyncset.done $0x0  }
0x16: {  	[sflag:s8] =	ssyncadd.s32 $0xFFFFFF00  }
0x17: {  	v5 =	vld [tilespmem:$0x0];
	_ =	sdelay $0x4  }
0x18: {  	v6 =	vshll.u32 v5, $0x1  }
0x19: {  	v5 =	vand.u32 $0x7, v5;
	v6 =	vand.u32 $0xFFFFFFF0, v6  }
0x1a: {  	v5 =	vor.u32 v5, v6  }
0x1b: {  	v6 =	vperm.xlane v5, v0;
	_ =	sdelay $0x1  }
0x1c: {  	v5 =	vperm.xlane v5, v2;
	v6 =	vadd.s32 v1, v6;
	_ =	sdelay $0x1  }
0x1d: {  	v5 =	vadd.s32 v1, v5;
	_ =	sdelay $0x2  }
0x1e: {  	[tilespmem:s9], [sflag:$0x1] =	stream.indirect_vreg.gather [hbm4b:s1+s3], $0x80, v6, vm0, $0xb8;
	[tilespmem:$0x12100] =	vst v63  }
0x1f: {  	s23 =	simm.s32 $0x900  }
0x20: {  	[tilespmem:s23], [sflag:$0x1] =	stream.indirect_vreg.gather [hbm4b:s1+s3], $0x80, v5, vm0, $0xb8;
	[tilespmem:$0x12100] =	vst v63  }
0x21: {  	v5 =	vld [tilespmem:$0x10];
	_ =	sdelay $0x4  }
0x22: {  	v6 =	vshll.u32 v5, $0x1  }
0x23: {  	v5 =	vand.u32 $0x7, v5;
	v6 =	vand.u32 $0xFFFFFFF0, v6  }
0x24: {  	v5 =	vor.u32 v5, v6  }
0x25: {  	v6 =	vperm.xlane v5, v0;
	_ =	sdelay $0x1  }
0x26: {  	v5 =	vperm.xlane v5, v2;
	v6 =	vadd.s32 v1, v6;
	_ =	sdelay $0x1  }
0x27: {  	v5 =	vadd.s32 v1, v5;
	_ =	sdelay $0x1  }
0x28: {  	s24 =	simm.s32 $0x1100  }
0x29: {  	[tilespmem:s24], [sflag:$0x1] =	stream.indirect_vreg.gather [hbm4b:s1+s3], $0x80, v6, vm0, $0xb8;
	[tilespmem:$0x12100] =	vst v63  }
0x2a: {  	s24 =	simm.s32 $0x1900  }
0x2b: {  	[tilespmem:s24], [sflag:$0x1] =	stream.indirect_vreg.gather [hbm4b:s1+s3], $0x80, v5, vm0, $0xb8;
	[tilespmem:$0x12100] =	vst v63  }
0x2c: {  	v5 =	vld [tilespmem:$0x20];
	_ =	sdelay $0x4  }
0x2d: {  	v6 =	vshll.u32 v5, $0x1  }
0x2e: {  	v5 =	vand.u32 $0x7, v5;
	v6 =	vand.u32 $0xFFFFFFF0, v6  }
0x2f: {  	v5 =	vor.u32 v5, v6  }
0x30: {  	v6 =	vperm.xlane v5, v0;
	_ =	sdelay $0x1  }
0x31: {  	v5 =	vperm.xlane v5, v2;
	v6 =	vadd.s32 v1, v6;
	_ =	sdelay $0x1  }
0x32: {  	v5 =	vadd.s32 v1, v5;
	_ =	sdelay $0x1  }
0x33: {  	s24 =	simm.s32 $0x2100  }
0x34: {  	[tilespmem:s24], [sflag:$0x1] =	stream.indirect_vreg.gather [hbm4b:s1+s3], $0x80, v6, vm0, $0xb8;
	[tilespmem:$0x12100] =	vst v63  }
0x35: {  	s24 =	simm.s32 $0x2900  }
0x36: {  	[tilespmem:s24], [sflag:$0x1] =	stream.indirect_vreg.gather [hbm4b:s1+s3], $0x80, v5, vm0, $0xb8;
	[tilespmem:$0x12100] =	vst v63  }
0x37: {  	v5 =	vld [tilespmem:$0x30];
	_ =	sdelay $0x4  }
0x38: {  	v6 =	vshll.u32 v5, $0x1  }
0x39: {  	v5 =	vand.u32 $0x7, v5;
	v6 =	vand.u32 $0xFFFFFFF0, v6  }
0x3a: {  	v5 =	vor.u32 v5, v6  }
0x3b: {  	v6 =	vperm.xlane v5, v0;
	_ =	sdelay $0x1  }
0x3c: {  	v5 =	vperm.xlane v5, v2;
	v6 =	vadd.s32 v1, v6;
	_ =	sdelay $0x1  }
0x3d: {  	v5 =	vadd.s32 v1, v5;
	_ =	sdelay $0x1  }
0x3e: {  	s24 =	simm.s32 $0x3100  }
0x3f: {  	[tilespmem:s24], [sflag:$0x1] =	stream.indirect_vreg.gather [hbm4b:s1+s3], $0x80, v6, vm0, $0xb8;
	[tilespmem:$0x12100] =	vst v63  }
0x40: {  	s24 =	simm.s32 $0x3900  }
0x41: {  	[tilespmem:s24], [sflag:$0x1] =	stream.indirect_vreg.gather [hbm4b:s1+s3], $0x80, v5, vm0, $0xb8;
	[tilespmem:$0x12100] =	vst v63  }
0x42: {  	v5 =	vld [tilespmem:$0x40];
	_ =	sdelay $0x4  }
0x43: {  	v6 =	vshll.u32 v5, $0x1  }
0x44: {  	v5 =	vand.u32 $0x7, v5;
	v6 =	vand.u32 $0xFFFFFFF0, v6  }
0x45: {  	v5 =	vor.u32 v5, v6  }
0x46: {  	v6 =	vperm.xlane v5, v0;
	_ =	sdelay $0x1  }
0x47: {  	v5 =	vperm.xlane v5, v2;
	v6 =	vadd.s32 v1, v6;
	_ =	sdelay $0x1  }
0x48: {  	v5 =	vadd.s32 v1, v5;
	_ =	sdelay $0x1  }
0x49: {  	s24 =	simm.s32 $0x4100  }
0x4a: {  	[tilespmem:s24], [sflag:$0x1] =	stream.indirect_vreg.gather [hbm4b:s1+s3], $0x80, v6, vm0, $0xb8;
	[tilespmem:$0x12100] =	vst v63  }
0x4b: {  	s24 =	simm.s32 $0x4900  }
0x4c: {  	[tilespmem:s24], [sflag:$0x1] =	stream.indirect_vreg.gather [hbm4b:s1+s3], $0x80, v5, vm0, $0xb8;
	[tilespmem:$0x12100] =	vst v63  }
0x4d: {  	v5 =	vld [tilespmem:$0x50];
	_ =	sdelay $0x4  }
0x4e: {  	v6 =	vshll.u32 v5, $0x1  }
0x4f: {  	v5 =	vand.u32 $0x7, v5;
	v6 =	vand.u32 $0xFFFFFFF0, v6  }
0x50: {  	v5 =	vor.u32 v5, v6  }
0x51: {  	v6 =	vperm.xlane v5, v0;
	_ =	sdelay $0x1  }
0x52: {  	v5 =	vperm.xlane v5, v2;
	v6 =	vadd.s32 v1, v6;
	_ =	sdelay $0x1  }
0x53: {  	v5 =	vadd.s32 v1, v5;
	_ =	sdelay $0x1  }
0x54: {  	s24 =	simm.s32 $0x5100  }
0x55: {  	[tilespmem:s24], [sflag:$0x1] =	stream.indirect_vreg.gather [hbm4b:s1+s3], $0x80, v6, vm0, $0xb8;
	[tilespmem:$0x12100] =	vst v63  }
0x56: {  	s24 =	simm.s32 $0x5900  }
0x57: {  	[tilespmem:s24], [sflag:$0x1] =	stream.indirect_vreg.gather [hbm4b:s1+s3], $0x80, v5, vm0, $0xb8;
	[tilespmem:$0x12100] =	vst v63  }
0x58: {  	v5 =	vld [tilespmem:$0x60];
	_ =	sdelay $0x4  }
0x59: {  	v6 =	vshll.u32 v5, $0x1  }
0x5a: {  	v5 =	vand.u32 $0x7, v5;
	v6 =	vand.u32 $0xFFFFFFF0, v6  }
0x5b: {  	v5 =	vor.u32 v5, v6  }
0x5c: {  	v6 =	vperm.xlane v5, v0;
	_ =	sdelay $0x1  }
0x5d: {  	v5 =	vperm.xlane v5, v2;
	v6 =	vadd.s32 v1, v6;
	_ =	sdelay $0x1  }
0x5e: {  	v5 =	vadd.s32 v1, v5;
	_ =	sdelay $0x1  }
0x5f: {  	s24 =	simm.s32 $0x6100  }
0x60: {  	[tilespmem:s24], [sflag:$0x1] =	stream.indirect_vreg.gather [hbm4b:s1+s3], $0x80, v6, vm0, $0xb8;
	[tilespmem:$0x12100] =	vst v63  }
0x61: {  	s24 =	simm.s32 $0x6900  }
0x62: {  	[tilespmem:s24], [sflag:$0x1] =	stream.indirect_vreg.gather [hbm4b:s1+s3], $0x80, v5, vm0, $0xb8;
	[tilespmem:$0x12100] =	vst v63  }
0x63: {  	v5 =	vld [tilespmem:$0x70];
	_ =	sdelay $0x4  }
0x64: {  	v6 =	vshll.u32 v5, $0x1  }
0x65: {  	v5 =	vand.u32 $0x7, v5;
	v6 =	vand.u32 $0xFFFFFFF0, v6  }
0x66: {  	v5 =	vor.u32 v5, v6  }
0x67: {  	v6 =	vperm.xlane v5, v0;
	_ =	sdelay $0x1  }
0x68: {  	v5 =	vperm.xlane v5, v2;
	v6 =	vadd.s32 v1, v6;
	_ =	sdelay $0x1  }
0x69: {  	v5 =	vadd.s32 v1, v5;
	_ =	sdelay $0x1  }
0x6a: {  	s24 =	simm.s32 $0x7100  }
0x6b: {  	[tilespmem:s24], [sflag:$0x1] =	stream.indirect_vreg.gather [hbm4b:s1+s3], $0x80, v6, vm0, $0xb8;
	[tilespmem:$0x12100] =	vst v63  }
0x6c: {  	s24 =	simm.s32 $0x7900  }
0x6d: {  	[tilespmem:s24], [sflag:$0x1] =	stream.indirect_vreg.gather [hbm4b:s1+s3], $0x80, v5, vm0, $0xb8;
	[tilespmem:$0x12100] =	vst v63  }
0x6e: {  	v5 =	vld [tilespmem:$0x80];
	_ =	sdelay $0x4  }
0x6f: {  	v6 =	vshll.u32 v5, $0x1  }
0x70: {  	v5 =	vand.u32 $0x7, v5;
	v6 =	vand.u32 $0xFFFFFFF0, v6  }
0x71: {  	v5 =	vor.u32 v5, v6  }
0x72: {  	v6 =	vperm.xlane v5, v0;
	_ =	sdelay $0x1  }
0x73: {  	v5 =	vperm.xlane v5, v2;
	v6 =	vadd.s32 v1, v6;
	_ =	sdelay $0x1  }
0x74: {  	v5 =	vadd.s32 v1, v5;
	_ =	sdelay $0x2  }
0x75: {  	[tilespmem:s25], [sflag:$0x1] =	stream.indirect_vreg.gather [hbm4b:s1+s3], $0x80, v6, vm0, $0xb8;
	[tilespmem:$0x12100] =	vst v63  }
0x76: {  	_ = 	snop  }
0x77: {  	[tilespmem:s26], [sflag:$0x1] =	stream.indirect_vreg.gather [hbm4b:s1+s3], $0x80, v5, vm0, $0xb8;
	[tilespmem:$0x12100] =	vst v63  }
0x78: {  	v5 =	vld [tilespmem:$0x90];
	_ =	sdelay $0x4  }
0x79: {  	v6 =	vshll.u32 v5, $0x1  }
0x7a: {  	v5 =	vand.u32 $0x7, v5;
	v6 =	vand.u32 $0xFFFFFFF0, v6  }
0x7b: {  	v5 =	vor.u32 v5, v6  }
0x7c: {  	v6 =	vperm.xlane v5, v0;
	_ =	sdelay $0x1  }
0x7d: {  	v5 =	vperm.xlane v5, v2;
	v6 =	vadd.s32 v1, v6;
	_ =	sdelay $0x1  }
0x7e: {  	v5 =	vadd.s32 v1, v5;
	_ =	sdelay $0x2  }
0x7f: {  	[tilespmem:s28], [sflag:$0x1] =	stream.indirect_vreg.gather [hbm4b:s1+s3], $0x80, v6, vm0, $0xb8;
	[tilespmem:$0x12100] =	vst v63  }
0x80: {  	_ = 	snop  }
0x81: {  	[tilespmem:s29], [sflag:$0x1] =	stream.indirect_vreg.gather [hbm4b:s1+s3], $0x80, v5, vm0, $0xb8;
	[tilespmem:$0x12100] =	vst v63  }
0x82: {  	v5 =	vld [tilespmem:$0xA0];
	_ =	sdelay $0x4  }
0x83: {  	v6 =	vshll.u32 v5, $0x1  }
0x84: {  	v5 =	vand.u32 $0x7, v5;
	v6 =	vand.u32 $0xFFFFFFF0, v6  }
0x85: {  	v5 =	vor.u32 v5, v6  }
0x86: {  	v6 =	vperm.xlane v5, v0;
	_ =	sdelay $0x1  }
0x87: {  	v5 =	vperm.xlane v5, v2;
	v6 =	vadd.s32 v1, v6;
	_ =	sdelay $0x1  }
0x88: {  	v5 =	vadd.s32 v1, v5;
	_ =	sdelay $0x2  }
0x89: {  	[tilespmem:s30], [sflag:$0x1] =	stream.indirect_vreg.gather [hbm4b:s1+s3], $0x80, v6, vm0, $0xb8;
	[tilespmem:$0x12100] =	vst v63  }
0x8a: {  	_ = 	snop  }
0x8b: {  	[tilespmem:s31], [sflag:$0x1] =	stream.indirect_vreg.gather [hbm4b:s1+s3], $0x80, v5, vm0, $0xb8;
	[tilespmem:$0x12100] =	vst v63  }
0x8c: {  	v5 =	vld [tilespmem:$0xB0];
	_ =	sdelay $0x4  }
0x8d: {  	v6 =	vshll.u32 v5, $0x1  }
0x8e: {  	v5 =	vand.u32 $0x7, v5;
	v6 =	vand.u32 $0xFFFFFFF0, v6  }
0x8f: {  	v5 =	vor.u32 v5, v6  }
0x90: {  	v6 =	vperm.xlane v5, v0;
	_ =	sdelay $0x1  }
0x91: {  	v5 =	vperm.xlane v5, v2;
	v6 =	vadd.s32 v1, v6;
	_ =	sdelay $0x1  }
0x92: {  	v5 =	vadd.s32 v1, v5;
	_ =	sdelay $0x2  }
0x93: {  	[tilespmem:s2], [sflag:$0x1] =	stream.indirect_vreg.gather [hbm4b:s1+s3], $0x80, v6, vm0, $0xb8;
	[tilespmem:$0x12100] =	vst v63  }
0x94: {  	_ = 	snop  }
0x95: {  	[tilespmem:s0], [sflag:$0x1] =	stream.indirect_vreg.gather [hbm4b:s1+s3], $0x80, v5, vm0, $0xb8;
	[tilespmem:$0x12100] =	vst v63  }
0x96: {  	v5 =	vld [tilespmem:$0xC0];
	_ =	sdelay $0x4  }
0x97: {  	v6 =	vshll.u32 v5, $0x1  }
0x98: {  	v5 =	vand.u32 $0x7, v5;
	v6 =	vand.u32 $0xFFFFFFF0, v6  }
0x99: {  	v5 =	vor.u32 v5, v6  }
0x9a: {  	v6 =	vperm.xlane v5, v0;
	_ =	sdelay $0x1  }
0x9b: {  	v5 =	vperm.xlane v5, v2;
	v6 =	vadd.s32 v1, v6;
	_ =	sdelay $0x1  }
0x9c: {  	v5 =	vadd.s32 v1, v5;
	_ =	sdelay $0x2  }
0x9d: {  	[tilespmem:s10], [sflag:$0x1] =	stream.indirect_vreg.gather [hbm4b:s1+s3], $0x80, v6, vm0, $0xb8;
	[tilespmem:$0x12100] =	vst v63  }
0x9e: {  	_ = 	snop  }
0x9f: {  	[tilespmem:s11], [sflag:$0x1] =	stream.indirect_vreg.gather [hbm4b:s1+s3], $0x80, v5, vm0, $0xb8;
	[tilespmem:$0x12100] =	vst v63  }
0xa0: {  	v5 =	vld [tilespmem:$0xD0];
	_ =	sdelay $0x4  }
0xa1: {  	v6 =	vshll.u32 v5, $0x1  }
0xa2: {  	v5 =	vand.u32 $0x7, v5;
	v6 =	vand.u32 $0xFFFFFFF0, v6  }
0xa3: {  	v5 =	vor.u32 v5, v6  }
0xa4: {  	v6 =	vperm.xlane v5, v0;
	_ =	sdelay $0x1  }
0xa5: {  	v5 =	vperm.xlane v5, v2;
	v6 =	vadd.s32 v1, v6;
	_ =	sdelay $0x1  }
0xa6: {  	v5 =	vadd.s32 v1, v5;
	_ =	sdelay $0x2  }
0xa7: {  	[tilespmem:s12], [sflag:$0x1] =	stream.indirect_vreg.gather [hbm4b:s1+s3], $0x80, v6, vm0, $0xb8;
	[tilespmem:$0x12100] =	vst v63  }
0xa8: {  	_ = 	snop  }
0xa9: {  	[tilespmem:s13], [sflag:$0x1] =	stream.indirect_vreg.gather [hbm4b:s1+s3], $0x80, v5, vm0, $0xb8;
	[tilespmem:$0x12100] =	vst v63  }
0xaa: {  	v5 =	vld [tilespmem:$0xE0];
	_ =	sdelay $0x4  }
0xab: {  	v6 =	vshll.u32 v5, $0x1  }
0xac: {  	v5 =	vand.u32 $0x7, v5;
	v6 =	vand.u32 $0xFFFFFFF0, v6  }
0xad: {  	v5 =	vor.u32 v5, v6  }
0xae: {  	v6 =	vperm.xlane v5, v0;
	_ =	sdelay $0x1  }
0xaf: {  	v5 =	vperm.xlane v5, v2;
	v6 =	vadd.s32 v1, v6;
	_ =	sdelay $0x1  }
0xb0: {  	v5 =	vadd.s32 v1, v5;
	_ =	sdelay $0x2  }
0xb1: {  	[tilespmem:s14], [sflag:$0x1] =	stream.indirect_vreg.gather [hbm4b:s1+s3], $0x80, v6, vm0, $0xb8;
	[tilespmem:$0x12100] =	vst v63  }
0xb2: {  	_ = 	snop  }
0xb3: {  	[tilespmem:s15], [sflag:$0x1] =	stream.indirect_vreg.gather [hbm4b:s1+s3], $0x80, v5, vm0, $0xb8;
	[tilespmem:$0x12100] =	vst v63  }
0xb4: {  	v5 =	vld [tilespmem:$0xF0];
	_ =	sdelay $0x4  }
0xb5: {  	v6 =	vshll.u32 v5, $0x1  }
0xb6: {  	v5 =	vand.u32 $0x7, v5;
	v6 =	vand.u32 $0xFFFFFFF0, v6  }
0xb7: {  	v5 =	vor.u32 v5, v6  }
0xb8: {  	v6 =	vperm.xlane v5, v0;
	_ =	sdelay $0x1  }
0xb9: {  	v5 =	vperm.xlane v5, v2;
	v6 =	vadd.s32 v1, v6;
	_ =	sdelay $0x1  }
0xba: {  	v5 =	vadd.s32 v1, v5;
	_ =	sdelay $0x2  }
0xbb: {  	[tilespmem:s16], [sflag:$0x1] =	stream.indirect_vreg.gather [hbm4b:s1+s3], $0x80, v6, vm0, $0xb8;
	[tilespmem:$0x12100] =	vst v63  }
0xbc: {  	s23 =	simm.s32 $0x40;
	s24 =	simm.s32 $0x0  }
0xbd: {  	[tilespmem:s17], [sflag:$0x1] =	stream.indirect_vreg.gather [hbm4b:s1+s3], $0x80, v5, vm0, $0xb8;
	[tilespmem:$0x12100] =	vst v63  }
.LBB2_2:
0xbe: {  	p0 =	sne.s32 s23, $0x7FC0;
	[tilespmem:s24+$0x10100] =	vst v3;
	s24 =	smov.u32 s23;
	s23 =	sadd.s32 $0x40, s23  }
.Ltmp0:
0xbf: {  	(pc) =	sbr.rel @p0 .LBB2_2-.Ltmp0, $2  }
0xc0: {  	_ =	sdelay $0x2  }
0xc1: {  	s24 =	sshra.s32 s24, $0x2  }
0xc2: {  	[tilespmem:s24+$0x10100] =	vst v3  }
0xc3: {  	v5 =	vld [tilespmem:$0x0];
	_ =	sdelay $0x7  }
0xc4: {  	[tilespmem:v5+s18+$0x0] =	vst.idx.add.s32.msk $0xffff, v4  }
0xc5: {  	v5 =	vld [tilespmem:$0x10];
	_ =	sdelay $0x7  }
0xc6: {  	[tilespmem:v5+s18+$0x0] =	vst.idx.add.s32.msk $0xffff, v4  }
0xc7: {  	v5 =	vld [tilespmem:$0x20];
	_ =	sdelay $0x7  }
0xc8: {  	[tilespmem:v5+s18+$0x0] =	vst.idx.add.s32.msk $0xffff, v4  }
0xc9: {  	v5 =	vld [tilespmem:$0x30];
	_ =	sdelay $0x7  }
0xca: {  	[tilespmem:v5+s18+$0x0] =	vst.idx.add.s32.msk $0xffff, v4  }
0xcb: {  	v5 =	vld [tilespmem:$0x40];
	_ =	sdelay $0x7  }
0xcc: {  	[tilespmem:v5+s18+$0x0] =	vst.idx.add.s32.msk $0xffff, v4  }
0xcd: {  	v5 =	vld [tilespmem:$0x50];
	_ =	sdelay $0x7  }
0xce: {  	[tilespmem:v5+s18+$0x0] =	vst.idx.add.s32.msk $0xffff, v4  }
0xcf: {  	v5 =	vld [tilespmem:$0x60];
	_ =	sdelay $0x7  }
0xd0: {  	[tilespmem:v5+s18+$0x0] =	vst.idx.add.s32.msk $0xffff, v4  }
0xd1: {  	v5 =	vld [tilespmem:$0x70];
	_ =	sdelay $0x7  }
0xd2: {  	[tilespmem:v5+s18+$0x0] =	vst.idx.add.s32.msk $0xffff, v4  }
0xd3: {  	v5 =	vld [tilespmem:$0x80];
	_ =	sdelay $0x7  }
0xd4: {  	[tilespmem:v5+s18+$0x0] =	vst.idx.add.s32.msk $0xffff, v4  }
0xd5: {  	v5 =	vld [tilespmem:$0x90];
	_ =	sdelay $0x7  }
0xd6: {  	[tilespmem:v5+s18+$0x0] =	vst.idx.add.s32.msk $0xffff, v4  }
0xd7: {  	v5 =	vld [tilespmem:$0xA0];
	_ =	sdelay $0x7  }
0xd8: {  	[tilespmem:v5+s18+$0x0] =	vst.idx.add.s32.msk $0xffff, v4  }
0xd9: {  	v5 =	vld [tilespmem:$0xB0];
	_ =	sdelay $0x7  }
0xda: {  	[tilespmem:v5+s18+$0x0] =	vst.idx.add.s32.msk $0xffff, v4  }
0xdb: {  	v5 =	vld [tilespmem:$0xC0];
	_ =	sdelay $0x7  }
0xdc: {  	[tilespmem:v5+s18+$0x0] =	vst.idx.add.s32.msk $0xffff, v4  }
0xdd: {  	v5 =	vld [tilespmem:$0xD0];
	_ =	sdelay $0x7  }
0xde: {  	[tilespmem:v5+s18+$0x0] =	vst.idx.add.s32.msk $0xffff, v4  }
0xdf: {  	v5 =	vld [tilespmem:$0xE0];
	_ =	sdelay $0x7  }
0xe0: {  	[tilespmem:v5+s18+$0x0] =	vst.idx.add.s32.msk $0xffff, v4  }
0xe1: {  	v5 =	vld [tilespmem:$0xF0];
	_ =	sdelay $0x7  }
0xe2: {  	[tilespmem:v5+s18+$0x0] =	vst.idx.add.s32.msk $0xffff, v4  }
0xe3: {  	_ =	swait.ge [sflag:s19], $0x10000  }
0xe4: {  	[sflag:s19] =	ssyncset.done $0x0  }
0xe5: {  	[sflag:s19] =	ssyncadd.s32 $0xFFFF0000  }
0xe6: {  	[hbm4b:s5+s3] =	stream.linear.scatter [tilespmem:s9], [sflag:$0x2], $0x10000, $0x38;
	[tilespmem:$0x12100] =	vst v63  }
0xe7: {  	s22 =	sadd.s32 $0x1, s22;
	_ =	swait.ge [sflag:s8], $0x10000  }
0xe8: {  	p0 =	sne.s32 s22, s7;
	[sflag:s8] =	ssyncset.done $0x0  }
.Ltmp1:
0xe9: {  	[sflag:s8] =	ssyncadd.s32 $0xFFFF0000;
	(pc) =	sbr.rel @p0 .LBB2_1-.Ltmp1, $4  }
0xea: {  	[hbm4b:s6+s20] =	stream.strided.scatter [tilespmem:s18], [sflag:$0x2], $0x2000, s21, s20, $0x38;
	[tilespmem:$0x12100] =	vst v63  }
0xeb: {  	_ =	swait.ge [sflag:s8], $0x2000  }
0xec: {  	[sflag:s8] =	ssyncset.done $0x0  }
0xed: {  	[sflag:s8] =	ssyncadd.s32 $0xFFFFE000  }
0xee: {  	_ =	sfence.sel $0x180000  }
0xef: {  	[bflag:$0x0] =	sbarrier.arrive $0xFFFF  }
0xf0: {  	_ =	strace $0x90000047  }
0xf1: {  	s0 =	stileid.u32;
	[bflag:$0x2] =	sbarrier.arrive $0xFFFF  }
0xf2: {  	p0 =	sne.s32 s0, $0x0;
	s0 =	rddreg [dreg:$0x3]  }
0xf3: {  	s0 =	sadd.s32 @!p0 $0x100000, s0  }
0xf4: {  	[sflag:s0] =	ssyncadd.tile.s32 @!p0 $0x1;
	_ =	shalt  }
.Lfunc_end2:
_tile_overlayer_lowered:
.L_overlay_start_2:
0xf5: {  	(tag) =	ssettag $0x2  }
0xf6: {  	s0 =	rddreg [dreg:$0x0];
	s2 =	stileid.u32  }
0xf7: {  	s1 =	rddreg [dreg:$0x1];
	p0 =	sne.s32 s2, $0x0  }
0xf8: {  	s3 =	rddreg [dreg:$0x2];
	[bflag:$0x3] =	sbarrier.arrive $0xFFFF;
	s2 =	simm.s32 @!p0 $0x1C02  }
0xf9: {  	[timem:s3], [sflag:s2] =	dma.local @!p0 [hbm:s0], s1  }
0xfa: {  	s0 =	simm.s32 @!p0 $0x2  }
0xfb: {  	_ =	swait.ge @!p0 [sflag:s0], s1  }
0xfc: {  	s1 =	ssub.s32 @!p0 $0x0, s1;
	[sflag:s0] =	ssyncset.done @!p0 $0x0  }
0xfd: {  	[sflag:s0] =	ssyncadd.s32 @!p0 s1  }
0xfe: {  	[bflag:$0x3] =	sbarrier.arrive $0xFFFF  }
0xff: {  	_ =	shalt  }

</sc_bundles>
